<compile_context>
chip_gen: v7x
topology: tpu7x:2x2x1
jax: 0.10.2.dev20260603
libtpu: 0.0.44.dev20260713+nightly
codegen_flags: <defaults>
</compile_context>

<pallas_src>
import functools

import jax
import jax.numpy as jnp
from jax import lax
from jax.experimental import pallas as pl
from jax.experimental.pallas import tpu as pltpu
from jax.experimental.pallas import tpu_sc as plsc

NUM_EMBEDDINGS = 100000
EMB_DIM = 128
BATCH = 4096
SEQ = 200

NW = 32
B_PER_W = BATCH // NW
NCHUNK = EMB_DIM // 16
KFIRE = 8


def _body(x_hbm, table_hbm, out_hbm, idx_v, acc0, sem, sem2):
    nc = 2
    wid = lax.axis_index("s") * nc + lax.axis_index("c")

    stage = pltpu.async_copy(x_hbm.at[wid], idx_v, sem2)

    zero = jnp.zeros((16,), jnp.float32)

    def zbody(p, carry):
        for c in range(NCHUNK):
            sl = pl.ds(c * 16, 16)
            acc0[p, sl] = zero
        return carry

    lax.fori_loop(0, B_PER_W, zbody, 0)
    stage.wait()

    def start(t):
        pltpu.async_copy(table_hbm.at[idx_v.at[t]], acc0, sem, add=True)

    def wait():
        pltpu.make_async_copy(table_hbm.at[idx_v.at[0]], acc0, sem).wait()

    for j in range(KFIRE):
        start(j)

    def fire_drain(g, carry):
        base = (g + 1) * KFIRE
        for j in range(KFIRE):
            start(base + j)
        for j in range(KFIRE):
            wait()
        return carry

    lax.fori_loop(0, SEQ // KFIRE - 1, fire_drain, 0)

    for j in range(KFIRE):
        wait()

    pltpu.sync_copy(acc0, out_hbm.at[pl.ds(wid * B_PER_W, B_PER_W)])


@functools.partial(
    pl.kernel,
    out_type=jax.ShapeDtypeStruct((BATCH, EMB_DIM), jnp.float32),
    mesh=plsc.VectorSubcoreMesh(core_axis_name="c", subcore_axis_name="s"),
    scratch_types=[
        pltpu.VMEM((SEQ, B_PER_W), jnp.int32),
        pltpu.VMEM((B_PER_W, EMB_DIM), jnp.float32),
        pltpu.SemaphoreType.DMA,
        pltpu.SemaphoreType.DMA,
    ],
)
def _bow_sum(x_hbm, table_hbm, out_hbm, idx_v, acc0, sem, sem2):
    _body(x_hbm, table_hbm, out_hbm, idx_v, acc0, sem, sem2)


@jax.jit
def kernel(x, table):
    xw = x.astype(jnp.int32).reshape(NW, B_PER_W, SEQ).transpose(0, 2, 1)
    return _bow_sum(xw, table)

# --- scband reference (transcript-rebuilt; emitter-appended) ---
"""Pipeline reference for scband-bow-encoder-3693671875298 (READ-ONLY COPY).

The authoritative reference and input builder live on the scoring server;
editing this copy changes nothing except your own understanding.
"""

import jax, jax.numpy as jnp
import numpy as np

NUM_EMBEDDINGS = 100000
EMB_DIM = 128
BATCH = 4096
SEQ = 200

def setup_inputs(seed: int = 0) -> dict:
    key = jax.random.key(seed)
    k_idx, k_tab = jax.random.split(key)
    x = jax.random.randint(k_idx, (BATCH, SEQ), 0, NUM_EMBEDDINGS, dtype=jnp.int64 if jax.config.jax_enable_x64 else jnp.int32)
    table = jax.random.normal(k_tab, (NUM_EMBEDDINGS, EMB_DIM), dtype=jnp.float32) * 0.02
    return {"x": x, "table": table}

def reference(x, table):
    # BOW_Encoder forward: embedding lookup -> dropout(p=0, identity) -> sum over tokens
    embeddings = jnp.take(table, x, axis=0)  # [N, T, emb_dim]
    # dropout with p=0.0 is identity
    out = jnp.sum(embeddings, axis=1)  # aggregation_type == 'sum'
    return out

if __name__ == "__main__":
    import jax
    _d = setup_inputs()
    print(jax.jit(kernel)(*tuple(_d.values())))

</pallas_src>

<mosaic_0001>
#map = affine_map<(d0, d1) -> (0, 0, 0)>
#map1 = affine_map<(d0, d1) -> (0, 0)>
module attributes {stable_mosaic.version = 14 : i64} {
  func.func @_bow_sum(%arg0: i32, %arg1: i32, %arg2: memref<32x200x128xi32, #tpu.memory_space<hbm>>, %arg3: memref<100000x128xf32, #tpu.memory_space<hbm>>, %arg4: memref<4096x128xf32, #tpu.memory_space<hbm>>, %arg5: memref<200x128xi32, #tpu.memory_space<vmem>>, %arg6: memref<128x128xf32, #tpu.memory_space<vmem>>, %arg7: memref<!tpu.dma_semaphore, #tpu.memory_space<semaphore_mem>>, %arg8: memref<!tpu.dma_semaphore, #tpu.memory_space<semaphore_mem>>) attributes {dimension_semantics = [#tpu.dimension_semantics<core_parallel>, #tpu.dimension_semantics<subcore_parallel>], iteration_bounds = array<i64: 2, 16>, scalar_prefetch = 0 : i64, scratch_operands = 4 : i64, tpu.core_type = #tpu.core_type<sc_vector_subcore>, window_params = [{transform_indices = #map}, {transform_indices = #map1}, {transform_indices = #map1}]} {
    %mul3A = arith.constant 2 : i32
    %mul3A_0 = arith.muli %arg1, %mul3A : i32
    %add3A = arith.addi %mul3A_0, %arg0 : i32
    %dma_start3A = arith.constant 0 : i32
    %dma_start3A_1 = arith.constant 0 : i32
    %dma_start3A_2 = tpu.memref_slice %arg2[%add3A, %dma_start3A, %dma_start3A_1] : memref<32x200x128xi32, #tpu.memory_space<hbm>> -> memref<1x200x128xi32, #tpu.memory_space<hbm>>
    %dma_start3A_3 = tpu.memref_squeeze %dma_start3A_2 : memref<1x200x128xi32, #tpu.memory_space<hbm>> -> memref<200x128xi32, #tpu.memory_space<hbm>>
    %dma_start3A_4 = arith.constant 0 : i32
    %dma_start3A_5 = arith.constant 0 : i32
    %dma_start3A_6 = tpu.memref_slice %arg2[%add3A, %dma_start3A_4, %dma_start3A_5] : memref<32x200x128xi32, #tpu.memory_space<hbm>> -> memref<1x200x128xi32, #tpu.memory_space<hbm>>
    %dma_start3A_7 = tpu.memref_squeeze %dma_start3A_6 : memref<1x200x128xi32, #tpu.memory_space<hbm>> -> memref<200x128xi32, #tpu.memory_space<hbm>>
    tpu.enqueue_dma source(%dma_start3A_7 : memref<200x128xi32, #tpu.memory_space<hbm>>) target(%arg5 : memref<200x128xi32, #tpu.memory_space<vmem>>) target_semaphore(%arg8 : memref<!tpu.dma_semaphore, #tpu.memory_space<semaphore_mem>>)
    %broadcast_in_dim3A = arith.constant 0.000000e+00 : f32
    %broadcast_in_dim3A_8 = vector.broadcast %broadcast_in_dim3A : f32 to vector<16xf32>
    %scan3A = arith.constant 0 : i32
    %scan3A_9 = arith.constant 0 : i32
    %scan3A_10 = arith.constant 128 : i32
    %scan3A_11 = arith.addi %scan3A_9, %scan3A_10 : i32
    %scan3A_12 = arith.constant 1 : i32
    scf.for %scan3A_141 = %scan3A_9 to %scan3A_11 step %scan3A_12  : i32 {
      %swap3A = arith.index_cast %scan3A_141 : i32 to index
      %swap3A_142 = arith.constant 0 : index
      %swap3A_143 = tpu.vector_load %arg6[%swap3A, %swap3A_142] {strides = array<i32>} : memref<128x128xf32, #tpu.memory_space<vmem>>, vector<1x16xf32>,
      %swap3A_144 = vector.shape_cast %swap3A_143 : vector<1x16xf32> to vector<16xf32>
      %swap3A_145 = vector.shape_cast %broadcast_in_dim3A_8 : vector<16xf32> to vector<1x16xf32>
      tpu.vector_store %arg6[%swap3A, %swap3A_142], %swap3A_145 {strides = array<i32>} : memref<128x128xf32, #tpu.memory_space<vmem>>, vector<1x16xf32>,
      %swap3A_146 = arith.index_cast %scan3A_141 : i32 to index
      %swap3A_147 = arith.constant 16 : index
      %swap3A_148 = tpu.vector_load %arg6[%swap3A_146, %swap3A_147] {strides = array<i32>} : memref<128x128xf32, #tpu.memory_space<vmem>>, vector<1x16xf32>,
      %swap3A_149 = vector.shape_cast %swap3A_148 : vector<1x16xf32> to vector<16xf32>
      %swap3A_150 = vector.shape_cast %broadcast_in_dim3A_8 : vector<16xf32> to vector<1x16xf32>
      tpu.vector_store %arg6[%swap3A_146, %swap3A_147], %swap3A_150 {strides = array<i32>} : memref<128x128xf32, #tpu.memory_space<vmem>>, vector<1x16xf32>,
      %swap3A_151 = arith.index_cast %scan3A_141 : i32 to index
      %swap3A_152 = arith.constant 32 : index
      %swap3A_153 = tpu.vector_load %arg6[%swap3A_151, %swap3A_152] {strides = array<i32>} : memref<128x128xf32, #tpu.memory_space<vmem>>, vector<1x16xf32>,
      %swap3A_154 = vector.shape_cast %swap3A_153 : vector<1x16xf32> to vector<16xf32>
      %swap3A_155 = vector.shape_cast %broadcast_in_dim3A_8 : vector<16xf32> to vector<1x16xf32>
      tpu.vector_store %arg6[%swap3A_151, %swap3A_152], %swap3A_155 {strides = array<i32>} : memref<128x128xf32, #tpu.memory_space<vmem>>, vector<1x16xf32>,
      %swap3A_156 = arith.index_cast %scan3A_141 : i32 to index
      %swap3A_157 = arith.constant 48 : index
      %swap3A_158 = tpu.vector_load %arg6[%swap3A_156, %swap3A_157] {strides = array<i32>} : memref<128x128xf32, #tpu.memory_space<vmem>>, vector<1x16xf32>,
      %swap3A_159 = vector.shape_cast %swap3A_158 : vector<1x16xf32> to vector<16xf32>
      %swap3A_160 = vector.shape_cast %broadcast_in_dim3A_8 : vector<16xf32> to vector<1x16xf32>
      tpu.vector_store %arg6[%swap3A_156, %swap3A_157], %swap3A_160 {strides = array<i32>} : memref<128x128xf32, #tpu.memory_space<vmem>>, vector<1x16xf32>,
      %swap3A_161 = arith.index_cast %scan3A_141 : i32 to index
      %swap3A_162 = arith.constant 64 : index
      %swap3A_163 = tpu.vector_load %arg6[%swap3A_161, %swap3A_162] {strides = array<i32>} : memref<128x128xf32, #tpu.memory_space<vmem>>, vector<1x16xf32>,
      %swap3A_164 = vector.shape_cast %swap3A_163 : vector<1x16xf32> to vector<16xf32>
      %swap3A_165 = vector.shape_cast %broadcast_in_dim3A_8 : vector<16xf32> to vector<1x16xf32>
      tpu.vector_store %arg6[%swap3A_161, %swap3A_162], %swap3A_165 {strides = array<i32>} : memref<128x128xf32, #tpu.memory_space<vmem>>, vector<1x16xf32>,
      %swap3A_166 = arith.index_cast %scan3A_141 : i32 to index
      %swap3A_167 = arith.constant 80 : index
      %swap3A_168 = tpu.vector_load %arg6[%swap3A_166, %swap3A_167] {strides = array<i32>} : memref<128x128xf32, #tpu.memory_space<vmem>>, vector<1x16xf32>,
      %swap3A_169 = vector.shape_cast %swap3A_168 : vector<1x16xf32> to vector<16xf32>
      %swap3A_170 = vector.shape_cast %broadcast_in_dim3A_8 : vector<16xf32> to vector<1x16xf32>
      tpu.vector_store %arg6[%swap3A_166, %swap3A_167], %swap3A_170 {strides = array<i32>} : memref<128x128xf32, #tpu.memory_space<vmem>>, vector<1x16xf32>,
      %swap3A_171 = arith.index_cast %scan3A_141 : i32 to index
      %swap3A_172 = arith.constant 96 : index
      %swap3A_173 = tpu.vector_load %arg6[%swap3A_171, %swap3A_172] {strides = array<i32>} : memref<128x128xf32, #tpu.memory_space<vmem>>, vector<1x16xf32>,
      %swap3A_174 = vector.shape_cast %swap3A_173 : vector<1x16xf32> to vector<16xf32>
      %swap3A_175 = vector.shape_cast %broadcast_in_dim3A_8 : vector<16xf32> to vector<1x16xf32>
      tpu.vector_store %arg6[%swap3A_171, %swap3A_172], %swap3A_175 {strides = array<i32>} : memref<128x128xf32, #tpu.memory_space<vmem>>, vector<1x16xf32>,
      %swap3A_176 = arith.index_cast %scan3A_141 : i32 to index
      %swap3A_177 = arith.constant 112 : index
      %swap3A_178 = tpu.vector_load %arg6[%swap3A_176, %swap3A_177] {strides = array<i32>} : memref<128x128xf32, #tpu.memory_space<vmem>>, vector<1x16xf32>,
      %swap3A_179 = vector.shape_cast %swap3A_178 : vector<1x16xf32> to vector<16xf32>
      %swap3A_180 = vector.shape_cast %broadcast_in_dim3A_8 : vector<16xf32> to vector<1x16xf32>
      tpu.vector_store %arg6[%swap3A_176, %swap3A_177], %swap3A_180 {strides = array<i32>} : memref<128x128xf32, #tpu.memory_space<vmem>>, vector<1x16xf32>,
    }
    %scan3A_13 = arith.constant 128 : i32
    %dma_wait3A = arith.constant 0 : i32
    %dma_wait3A_14 = arith.constant 0 : i32
    %dma_wait3A_15 = tpu.memref_slice %arg2[%add3A, %dma_wait3A, %dma_wait3A_14] : memref<32x200x128xi32, #tpu.memory_space<hbm>> -> memref<1x200x128xi32, #tpu.memory_space<hbm>>
    %dma_wait3A_16 = tpu.memref_squeeze %dma_wait3A_15 : memref<1x200x128xi32, #tpu.memory_space<hbm>> -> memref<200x128xi32, #tpu.memory_space<hbm>>
    %dma_wait3A_17 = arith.constant 0 : i32
    %dma_wait3A_18 = arith.constant 0 : i32
    %dma_wait3A_19 = tpu.memref_slice %arg2[%add3A, %dma_wait3A_17, %dma_wait3A_18] : memref<32x200x128xi32, #tpu.memory_space<hbm>> -> memref<1x200x128xi32, #tpu.memory_space<hbm>>
    %dma_wait3A_20 = tpu.memref_squeeze %dma_wait3A_19 : memref<1x200x128xi32, #tpu.memory_space<hbm>> -> memref<200x128xi32, #tpu.memory_space<hbm>>
    tpu.wait_dma2 semaphore(%arg8 : memref<!tpu.dma_semaphore, #tpu.memory_space<semaphore_mem>>) src(%dma_wait3A_20 : memref<200x128xi32, #tpu.memory_space<hbm>>) dst(%arg5 : memref<200x128xi32, #tpu.memory_space<vmem>>)
    %dma_start3A_21 = arith.constant 0 : i32
    %dma_start3A_22 = arith.constant 0 : i32
    %dma_start3A_23 = tpu.memref_slice %arg5[%dma_start3A_21, %dma_start3A_22] : memref<200x128xi32, #tpu.memory_space<vmem>> -> memref<1x128xi32, #tpu.memory_space<vmem>>
    %dma_start3A_24 = tpu.memref_squeeze %dma_start3A_23 : memref<1x128xi32, #tpu.memory_space<vmem>> -> memref<128xi32, #tpu.memory_space<vmem>>
    %dma_start3A_25 = arith.constant 0 : i32
    %dma_start3A_26 = arith.constant 0 : i32
    %dma_start3A_27 = tpu.memref_slice %arg3[%dma_start3A_25, %dma_start3A_26] : memref<100000x128xf32, #tpu.memory_space<hbm>> -> memref<100000x128xf32, #tpu.memory_space<hbm>>
    tpu.enqueue_indirect_dma source(%dma_start3A_27 : memref<100000x128xf32, #tpu.memory_space<hbm>>) target(%arg6 : memref<128x128xf32, #tpu.memory_space<vmem>>) offsets(%dma_start3A_24 : memref<128xi32, #tpu.memory_space<vmem>>) semaphore(%arg7 : memref<!tpu.dma_semaphore, #tpu.memory_space<semaphore_mem>>) {add = true}
    %dma_start3A_28 = arith.constant 1 : i32
    %dma_start3A_29 = arith.constant 0 : i32
    %dma_start3A_30 = tpu.memref_slice %arg5[%dma_start3A_28, %dma_start3A_29] : memref<200x128xi32, #tpu.memory_space<vmem>> -> memref<1x128xi32, #tpu.memory_space<vmem>>
    %dma_start3A_31 = tpu.memref_squeeze %dma_start3A_30 : memref<1x128xi32, #tpu.memory_space<vmem>> -> memref<128xi32, #tpu.memory_space<vmem>>
    %dma_start3A_32 = arith.constant 0 : i32
    %dma_start3A_33 = arith.constant 0 : i32
    %dma_start3A_34 = tpu.memref_slice %arg3[%dma_start3A_32, %dma_start3A_33] : memref<100000x128xf32, #tpu.memory_space<hbm>> -> memref<100000x128xf32, #tpu.memory_space<hbm>>
    tpu.enqueue_indirect_dma source(%dma_start3A_34 : memref<100000x128xf32, #tpu.memory_space<hbm>>) target(%arg6 : memref<128x128xf32, #tpu.memory_space<vmem>>) offsets(%dma_start3A_31 : memref<128xi32, #tpu.memory_space<vmem>>) semaphore(%arg7 : memref<!tpu.dma_semaphore, #tpu.memory_space<semaphore_mem>>) {add = true}
    %dma_start3A_35 = arith.constant 2 : i32
    %dma_start3A_36 = arith.constant 0 : i32
    %dma_start3A_37 = tpu.memref_slice %arg5[%dma_start3A_35, %dma_start3A_36] : memref<200x128xi32, #tpu.memory_space<vmem>> -> memref<1x128xi32, #tpu.memory_space<vmem>>
    %dma_start3A_38 = tpu.memref_squeeze %dma_start3A_37 : memref<1x128xi32, #tpu.memory_space<vmem>> -> memref<128xi32, #tpu.memory_space<vmem>>
    %dma_start3A_39 = arith.constant 0 : i32
    %dma_start3A_40 = arith.constant 0 : i32
    %dma_start3A_41 = tpu.memref_slice %arg3[%dma_start3A_39, %dma_start3A_40] : memref<100000x128xf32, #tpu.memory_space<hbm>> -> memref<100000x128xf32, #tpu.memory_space<hbm>>
    tpu.enqueue_indirect_dma source(%dma_start3A_41 : memref<100000x128xf32, #tpu.memory_space<hbm>>) target(%arg6 : memref<128x128xf32, #tpu.memory_space<vmem>>) offsets(%dma_start3A_38 : memref<128xi32, #tpu.memory_space<vmem>>) semaphore(%arg7 : memref<!tpu.dma_semaphore, #tpu.memory_space<semaphore_mem>>) {add = true}
    %dma_start3A_42 = arith.constant 3 : i32
    %dma_start3A_43 = arith.constant 0 : i32
    %dma_start3A_44 = tpu.memref_slice %arg5[%dma_start3A_42, %dma_start3A_43] : memref<200x128xi32, #tpu.memory_space<vmem>> -> memref<1x128xi32, #tpu.memory_space<vmem>>
    %dma_start3A_45 = tpu.memref_squeeze %dma_start3A_44 : memref<1x128xi32, #tpu.memory_space<vmem>> -> memref<128xi32, #tpu.memory_space<vmem>>
    %dma_start3A_46 = arith.constant 0 : i32
    %dma_start3A_47 = arith.constant 0 : i32
    %dma_start3A_48 = tpu.memref_slice %arg3[%dma_start3A_46, %dma_start3A_47] : memref<100000x128xf32, #tpu.memory_space<hbm>> -> memref<100000x128xf32, #tpu.memory_space<hbm>>
    tpu.enqueue_indirect_dma source(%dma_start3A_48 : memref<100000x128xf32, #tpu.memory_space<hbm>>) target(%arg6 : memref<128x128xf32, #tpu.memory_space<vmem>>) offsets(%dma_start3A_45 : memref<128xi32, #tpu.memory_space<vmem>>) semaphore(%arg7 : memref<!tpu.dma_semaphore, #tpu.memory_space<semaphore_mem>>) {add = true}
    %dma_start3A_49 = arith.constant 4 : i32
    %dma_start3A_50 = arith.constant 0 : i32
    %dma_start3A_51 = tpu.memref_slice %arg5[%dma_start3A_49, %dma_start3A_50] : memref<200x128xi32, #tpu.memory_space<vmem>> -> memref<1x128xi32, #tpu.memory_space<vmem>>
    %dma_start3A_52 = tpu.memref_squeeze %dma_start3A_51 : memref<1x128xi32, #tpu.memory_space<vmem>> -> memref<128xi32, #tpu.memory_space<vmem>>
    %dma_start3A_53 = arith.constant 0 : i32
    %dma_start3A_54 = arith.constant 0 : i32
    %dma_start3A_55 = tpu.memref_slice %arg3[%dma_start3A_53, %dma_start3A_54] : memref<100000x128xf32, #tpu.memory_space<hbm>> -> memref<100000x128xf32, #tpu.memory_space<hbm>>
    tpu.enqueue_indirect_dma source(%dma_start3A_55 : memref<100000x128xf32, #tpu.memory_space<hbm>>) target(%arg6 : memref<128x128xf32, #tpu.memory_space<vmem>>) offsets(%dma_start3A_52 : memref<128xi32, #tpu.memory_space<vmem>>) semaphore(%arg7 : memref<!tpu.dma_semaphore, #tpu.memory_space<semaphore_mem>>) {add = true}
    %dma_start3A_56 = arith.constant 5 : i32
    %dma_start3A_57 = arith.constant 0 : i32
    %dma_start3A_58 = tpu.memref_slice %arg5[%dma_start3A_56, %dma_start3A_57] : memref<200x128xi32, #tpu.memory_space<vmem>> -> memref<1x128xi32, #tpu.memory_space<vmem>>
    %dma_start3A_59 = tpu.memref_squeeze %dma_start3A_58 : memref<1x128xi32, #tpu.memory_space<vmem>> -> memref<128xi32, #tpu.memory_space<vmem>>
    %dma_start3A_60 = arith.constant 0 : i32
    %dma_start3A_61 = arith.constant 0 : i32
    %dma_start3A_62 = tpu.memref_slice %arg3[%dma_start3A_60, %dma_start3A_61] : memref<100000x128xf32, #tpu.memory_space<hbm>> -> memref<100000x128xf32, #tpu.memory_space<hbm>>
    tpu.enqueue_indirect_dma source(%dma_start3A_62 : memref<100000x128xf32, #tpu.memory_space<hbm>>) target(%arg6 : memref<128x128xf32, #tpu.memory_space<vmem>>) offsets(%dma_start3A_59 : memref<128xi32, #tpu.memory_space<vmem>>) semaphore(%arg7 : memref<!tpu.dma_semaphore, #tpu.memory_space<semaphore_mem>>) {add = true}
    %dma_start3A_63 = arith.constant 6 : i32
    %dma_start3A_64 = arith.constant 0 : i32
    %dma_start3A_65 = tpu.memref_slice %arg5[%dma_start3A_63, %dma_start3A_64] : memref<200x128xi32, #tpu.memory_space<vmem>> -> memref<1x128xi32, #tpu.memory_space<vmem>>
    %dma_start3A_66 = tpu.memref_squeeze %dma_start3A_65 : memref<1x128xi32, #tpu.memory_space<vmem>> -> memref<128xi32, #tpu.memory_space<vmem>>
    %dma_start3A_67 = arith.constant 0 : i32
    %dma_start3A_68 = arith.constant 0 : i32
    %dma_start3A_69 = tpu.memref_slice %arg3[%dma_start3A_67, %dma_start3A_68] : memref<100000x128xf32, #tpu.memory_space<hbm>> -> memref<100000x128xf32, #tpu.memory_space<hbm>>
    tpu.enqueue_indirect_dma source(%dma_start3A_69 : memref<100000x128xf32, #tpu.memory_space<hbm>>) target(%arg6 : memref<128x128xf32, #tpu.memory_space<vmem>>) offsets(%dma_start3A_66 : memref<128xi32, #tpu.memory_space<vmem>>) semaphore(%arg7 : memref<!tpu.dma_semaphore, #tpu.memory_space<semaphore_mem>>) {add = true}
    %dma_start3A_70 = arith.constant 7 : i32
    %dma_start3A_71 = arith.constant 0 : i32
    %dma_start3A_72 = tpu.memref_slice %arg5[%dma_start3A_70, %dma_start3A_71] : memref<200x128xi32, #tpu.memory_space<vmem>> -> memref<1x128xi32, #tpu.memory_space<vmem>>
    %dma_start3A_73 = tpu.memref_squeeze %dma_start3A_72 : memref<1x128xi32, #tpu.memory_space<vmem>> -> memref<128xi32, #tpu.memory_space<vmem>>
    %dma_start3A_74 = arith.constant 0 : i32
    %dma_start3A_75 = arith.constant 0 : i32
    %dma_start3A_76 = tpu.memref_slice %arg3[%dma_start3A_74, %dma_start3A_75] : memref<100000x128xf32, #tpu.memory_space<hbm>> -> memref<100000x128xf32, #tpu.memory_space<hbm>>
    tpu.enqueue_indirect_dma source(%dma_start3A_76 : memref<100000x128xf32, #tpu.memory_space<hbm>>) target(%arg6 : memref<128x128xf32, #tpu.memory_space<vmem>>) offsets(%dma_start3A_73 : memref<128xi32, #tpu.memory_space<vmem>>) semaphore(%arg7 : memref<!tpu.dma_semaphore, #tpu.memory_space<semaphore_mem>>) {add = true}
    %scan3A_77 = arith.constant 0 : i32
    %scan3A_78 = arith.constant 0 : i32
    %scan3A_79 = arith.constant 24 : i32
    %scan3A_80 = arith.addi %scan3A_78, %scan3A_79 : i32
    %scan3A_81 = arith.constant 1 : i32
    scf.for %scan3A_141 = %scan3A_78 to %scan3A_80 step %scan3A_81  : i32 {
      %add3A_142 = arith.constant 1 : i32
      %add3A_143 = arith.addi %scan3A_141, %add3A_142 : i32
      %mul3A_144 = arith.constant 8 : i32
      %mul3A_145 = arith.muli %add3A_143, %mul3A_144 : i32
      %add3A_146 = arith.constant 0 : i32
      %add3A_147 = arith.addi %mul3A_145, %add3A_146 : i32
      %dma_start3A_148 = arith.constant 0 : i32
      %dma_start3A_149 = tpu.memref_slice %arg5[%add3A_147, %dma_start3A_148] : memref<200x128xi32, #tpu.memory_space<vmem>> -> memref<1x128xi32, #tpu.memory_space<vmem>>
      %dma_start3A_150 = tpu.memref_squeeze %dma_start3A_149 : memref<1x128xi32, #tpu.memory_space<vmem>> -> memref<128xi32, #tpu.memory_space<vmem>>
      %dma_start3A_151 = arith.constant 0 : i32
      %dma_start3A_152 = arith.constant 0 : i32
      %dma_start3A_153 = tpu.memref_slice %arg3[%dma_start3A_151, %dma_start3A_152] : memref<100000x128xf32, #tpu.memory_space<hbm>> -> memref<100000x128xf32, #tpu.memory_space<hbm>>
      tpu.enqueue_indirect_dma source(%dma_start3A_153 : memref<100000x128xf32, #tpu.memory_space<hbm>>) target(%arg6 : memref<128x128xf32, #tpu.memory_space<vmem>>) offsets(%dma_start3A_150 : memref<128xi32, #tpu.memory_space<vmem>>) semaphore(%arg7 : memref<!tpu.dma_semaphore, #tpu.memory_space<semaphore_mem>>) {add = true}
      %add3A_154 = arith.constant 1 : i32
      %add3A_155 = arith.addi %mul3A_145, %add3A_154 : i32
      %dma_start3A_156 = arith.constant 0 : i32
      %dma_start3A_157 = tpu.memref_slice %arg5[%add3A_155, %dma_start3A_156] : memref<200x128xi32, #tpu.memory_space<vmem>> -> memref<1x128xi32, #tpu.memory_space<vmem>>
      %dma_start3A_158 = tpu.memref_squeeze %dma_start3A_157 : memref<1x128xi32, #tpu.memory_space<vmem>> -> memref<128xi32, #tpu.memory_space<vmem>>
      %dma_start3A_159 = arith.constant 0 : i32
      %dma_start3A_160 = arith.constant 0 : i32
      %dma_start3A_161 = tpu.memref_slice %arg3[%dma_start3A_159, %dma_start3A_160] : memref<100000x128xf32, #tpu.memory_space<hbm>> -> memref<100000x128xf32, #tpu.memory_space<hbm>>
      tpu.enqueue_indirect_dma source(%dma_start3A_161 : memref<100000x128xf32, #tpu.memory_space<hbm>>) target(%arg6 : memref<128x128xf32, #tpu.memory_space<vmem>>) offsets(%dma_start3A_158 : memref<128xi32, #tpu.memory_space<vmem>>) semaphore(%arg7 : memref<!tpu.dma_semaphore, #tpu.memory_space<semaphore_mem>>) {add = true}
      %add3A_162 = arith.constant 2 : i32
      %add3A_163 = arith.addi %mul3A_145, %add3A_162 : i32
      %dma_start3A_164 = arith.constant 0 : i32
      %dma_start3A_165 = tpu.memref_slice %arg5[%add3A_163, %dma_start3A_164] : memref<200x128xi32, #tpu.memory_space<vmem>> -> memref<1x128xi32, #tpu.memory_space<vmem>>
      %dma_start3A_166 = tpu.memref_squeeze %dma_start3A_165 : memref<1x128xi32, #tpu.memory_space<vmem>> -> memref<128xi32, #tpu.memory_space<vmem>>
      %dma_start3A_167 = arith.constant 0 : i32
      %dma_start3A_168 = arith.constant 0 : i32
      %dma_start3A_169 = tpu.memref_slice %arg3[%dma_start3A_167, %dma_start3A_168] : memref<100000x128xf32, #tpu.memory_space<hbm>> -> memref<100000x128xf32, #tpu.memory_space<hbm>>
      tpu.enqueue_indirect_dma source(%dma_start3A_169 : memref<100000x128xf32, #tpu.memory_space<hbm>>) target(%arg6 : memref<128x128xf32, #tpu.memory_space<vmem>>) offsets(%dma_start3A_166 : memref<128xi32, #tpu.memory_space<vmem>>) semaphore(%arg7 : memref<!tpu.dma_semaphore, #tpu.memory_space<semaphore_mem>>) {add = true}
      %add3A_170 = arith.constant 3 : i32
      %add3A_171 = arith.addi %mul3A_145, %add3A_170 : i32
      %dma_start3A_172 = arith.constant 0 : i32
      %dma_start3A_173 = tpu.memref_slice %arg5[%add3A_171, %dma_start3A_172] : memref<200x128xi32, #tpu.memory_space<vmem>> -> memref<1x128xi32, #tpu.memory_space<vmem>>
      %dma_start3A_174 = tpu.memref_squeeze %dma_start3A_173 : memref<1x128xi32, #tpu.memory_space<vmem>> -> memref<128xi32, #tpu.memory_space<vmem>>
      %dma_start3A_175 = arith.constant 0 : i32
      %dma_start3A_176 = arith.constant 0 : i32
      %dma_start3A_177 = tpu.memref_slice %arg3[%dma_start3A_175, %dma_start3A_176] : memref<100000x128xf32, #tpu.memory_space<hbm>> -> memref<100000x128xf32, #tpu.memory_space<hbm>>
      tpu.enqueue_indirect_dma source(%dma_start3A_177 : memref<100000x128xf32, #tpu.memory_space<hbm>>) target(%arg6 : memref<128x128xf32, #tpu.memory_space<vmem>>) offsets(%dma_start3A_174 : memref<128xi32, #tpu.memory_space<vmem>>) semaphore(%arg7 : memref<!tpu.dma_semaphore, #tpu.memory_space<semaphore_mem>>) {add = true}
      %add3A_178 = arith.constant 4 : i32
      %add3A_179 = arith.addi %mul3A_145, %add3A_178 : i32
      %dma_start3A_180 = arith.constant 0 : i32
      %dma_start3A_181 = tpu.memref_slice %arg5[%add3A_179, %dma_start3A_180] : memref<200x128xi32, #tpu.memory_space<vmem>> -> memref<1x128xi32, #tpu.memory_space<vmem>>
      %dma_start3A_182 = tpu.memref_squeeze %dma_start3A_181 : memref<1x128xi32, #tpu.memory_space<vmem>> -> memref<128xi32, #tpu.memory_space<vmem>>
      %dma_start3A_183 = arith.constant 0 : i32
      %dma_start3A_184 = arith.constant 0 : i32
      %dma_start3A_185 = tpu.memref_slice %arg3[%dma_start3A_183, %dma_start3A_184] : memref<100000x128xf32, #tpu.memory_space<hbm>> -> memref<100000x128xf32, #tpu.memory_space<hbm>>
      tpu.enqueue_indirect_dma source(%dma_start3A_185 : memref<100000x128xf32, #tpu.memory_space<hbm>>) target(%arg6 : memref<128x128xf32, #tpu.memory_space<vmem>>) offsets(%dma_start3A_182 : memref<128xi32, #tpu.memory_space<vmem>>) semaphore(%arg7 : memref<!tpu.dma_semaphore, #tpu.memory_space<semaphore_mem>>) {add = true}
      %add3A_186 = arith.constant 5 : i32
      %add3A_187 = arith.addi %mul3A_145, %add3A_186 : i32
      %dma_start3A_188 = arith.constant 0 : i32
      %dma_start3A_189 = tpu.memref_slice %arg5[%add3A_187, %dma_start3A_188] : memref<200x128xi32, #tpu.memory_space<vmem>> -> memref<1x128xi32, #tpu.memory_space<vmem>>
      %dma_start3A_190 = tpu.memref_squeeze %dma_start3A_189 : memref<1x128xi32, #tpu.memory_space<vmem>> -> memref<128xi32, #tpu.memory_space<vmem>>
      %dma_start3A_191 = arith.constant 0 : i32
      %dma_start3A_192 = arith.constant 0 : i32
      %dma_start3A_193 = tpu.memref_slice %arg3[%dma_start3A_191, %dma_start3A_192] : memref<100000x128xf32, #tpu.memory_space<hbm>> -> memref<100000x128xf32, #tpu.memory_space<hbm>>
      tpu.enqueue_indirect_dma source(%dma_start3A_193 : memref<100000x128xf32, #tpu.memory_space<hbm>>) target(%arg6 : memref<128x128xf32, #tpu.memory_space<vmem>>) offsets(%dma_start3A_190 : memref<128xi32, #tpu.memory_space<vmem>>) semaphore(%arg7 : memref<!tpu.dma_semaphore, #tpu.memory_space<semaphore_mem>>) {add = true}
      %add3A_194 = arith.constant 6 : i32
      %add3A_195 = arith.addi %mul3A_145, %add3A_194 : i32
      %dma_start3A_196 = arith.constant 0 : i32
      %dma_start3A_197 = tpu.memref_slice %arg5[%add3A_195, %dma_start3A_196] : memref<200x128xi32, #tpu.memory_space<vmem>> -> memref<1x128xi32, #tpu.memory_space<vmem>>
      %dma_start3A_198 = tpu.memref_squeeze %dma_start3A_197 : memref<1x128xi32, #tpu.memory_space<vmem>> -> memref<128xi32, #tpu.memory_space<vmem>>
      %dma_start3A_199 = arith.constant 0 : i32
      %dma_start3A_200 = arith.constant 0 : i32
      %dma_start3A_201 = tpu.memref_slice %arg3[%dma_start3A_199, %dma_start3A_200] : memref<100000x128xf32, #tpu.memory_space<hbm>> -> memref<100000x128xf32, #tpu.memory_space<hbm>>
      tpu.enqueue_indirect_dma source(%dma_start3A_201 : memref<100000x128xf32, #tpu.memory_space<hbm>>) target(%arg6 : memref<128x128xf32, #tpu.memory_space<vmem>>) offsets(%dma_start3A_198 : memref<128xi32, #tpu.memory_space<vmem>>) semaphore(%arg7 : memref<!tpu.dma_semaphore, #tpu.memory_space<semaphore_mem>>) {add = true}
      %add3A_202 = arith.constant 7 : i32
      %add3A_203 = arith.addi %mul3A_145, %add3A_202 : i32
      %dma_start3A_204 = arith.constant 0 : i32
      %dma_start3A_205 = tpu.memref_slice %arg5[%add3A_203, %dma_start3A_204] : memref<200x128xi32, #tpu.memory_space<vmem>> -> memref<1x128xi32, #tpu.memory_space<vmem>>
      %dma_start3A_206 = tpu.memref_squeeze %dma_start3A_205 : memref<1x128xi32, #tpu.memory_space<vmem>> -> memref<128xi32, #tpu.memory_space<vmem>>
      %dma_start3A_207 = arith.constant 0 : i32
      %dma_start3A_208 = arith.constant 0 : i32
      %dma_start3A_209 = tpu.memref_slice %arg3[%dma_start3A_207, %dma_start3A_208] : memref<100000x128xf32, #tpu.memory_space<hbm>> -> memref<100000x128xf32, #tpu.memory_space<hbm>>
      tpu.enqueue_indirect_dma source(%dma_start3A_209 : memref<100000x128xf32, #tpu.memory_space<hbm>>) target(%arg6 : memref<128x128xf32, #tpu.memory_space<vmem>>) offsets(%dma_start3A_206 : memref<128xi32, #tpu.memory_space<vmem>>) semaphore(%arg7 : memref<!tpu.dma_semaphore, #tpu.memory_space<semaphore_mem>>) {add = true}
      %dma_wait3A_210 = arith.constant 0 : i32
      %dma_wait3A_211 = arith.constant 0 : i32
      %dma_wait3A_212 = tpu.memref_slice %arg5[%dma_wait3A_210, %dma_wait3A_211] : memref<200x128xi32, #tpu.memory_space<vmem>> -> memref<1x128xi32, #tpu.memory_space<vmem>>
      %dma_wait3A_213 = tpu.memref_squeeze %dma_wait3A_212 : memref<1x128xi32, #tpu.memory_space<vmem>> -> memref<128xi32, #tpu.memory_space<vmem>>
      %dma_wait3A_214 = arith.constant 0 : i32
      %dma_wait3A_215 = arith.constant 0 : i32
      %dma_wait3A_216 = tpu.memref_slice %arg3[%dma_wait3A_214, %dma_wait3A_215] : memref<100000x128xf32, #tpu.memory_space<hbm>> -> memref<100000x128xf32, #tpu.memory_space<hbm>>
      tpu.wait_indirect_dma semaphore(%arg7 : memref<!tpu.dma_semaphore, #tpu.memory_space<semaphore_mem>>) src(%dma_wait3A_216 : memref<100000x128xf32, #tpu.memory_space<hbm>>) dst(%arg6 : memref<128x128xf32, #tpu.memory_space<vmem>>)
      %dma_wait3A_217 = arith.constant 0 : i32
      %dma_wait3A_218 = arith.constant 0 : i32
      %dma_wait3A_219 = tpu.memref_slice %arg5[%dma_wait3A_217, %dma_wait3A_218] : memref<200x128xi32, #tpu.memory_space<vmem>> -> memref<1x128xi32, #tpu.memory_space<vmem>>
      %dma_wait3A_220 = tpu.memref_squeeze %dma_wait3A_219 : memref<1x128xi32, #tpu.memory_space<vmem>> -> memref<128xi32, #tpu.memory_space<vmem>>
      %dma_wait3A_221 = arith.constant 0 : i32
      %dma_wait3A_222 = arith.constant 0 : i32
      %dma_wait3A_223 = tpu.memref_slice %arg3[%dma_wait3A_221, %dma_wait3A_222] : memref<100000x128xf32, #tpu.memory_space<hbm>> -> memref<100000x128xf32, #tpu.memory_space<hbm>>
      tpu.wait_indirect_dma semaphore(%arg7 : memref<!tpu.dma_semaphore, #tpu.memory_space<semaphore_mem>>) src(%dma_wait3A_223 : memref<100000x128xf32, #tpu.memory_space<hbm>>) dst(%arg6 : memref<128x128xf32, #tpu.memory_space<vmem>>)
      %dma_wait3A_224 = arith.constant 0 : i32
      %dma_wait3A_225 = arith.constant 0 : i32
      %dma_wait3A_226 = tpu.memref_slice %arg5[%dma_wait3A_224, %dma_wait3A_225] : memref<200x128xi32, #tpu.memory_space<vmem>> -> memref<1x128xi32, #tpu.memory_space<vmem>>
      %dma_wait3A_227 = tpu.memref_squeeze %dma_wait3A_226 : memref<1x128xi32, #tpu.memory_space<vmem>> -> memref<128xi32, #tpu.memory_space<vmem>>
      %dma_wait3A_228 = arith.constant 0 : i32
      %dma_wait3A_229 = arith.constant 0 : i32
      %dma_wait3A_230 = tpu.memref_slice %arg3[%dma_wait3A_228, %dma_wait3A_229] : memref<100000x128xf32, #tpu.memory_space<hbm>> -> memref<100000x128xf32, #tpu.memory_space<hbm>>
      tpu.wait_indirect_dma semaphore(%arg7 : memref<!tpu.dma_semaphore, #tpu.memory_space<semaphore_mem>>) src(%dma_wait3A_230 : memref<100000x128xf32, #tpu.memory_space<hbm>>) dst(%arg6 : memref<128x128xf32, #tpu.memory_space<vmem>>)
      %dma_wait3A_231 = arith.constant 0 : i32
      %dma_wait3A_232 = arith.constant 0 : i32
      %dma_wait3A_233 = tpu.memref_slice %arg5[%dma_wait3A_231, %dma_wait3A_232] : memref<200x128xi32, #tpu.memory_space<vmem>> -> memref<1x128xi32, #tpu.memory_space<vmem>>
      %dma_wait3A_234 = tpu.memref_squeeze %dma_wait3A_233 : memref<1x128xi32, #tpu.memory_space<vmem>> -> memref<128xi32, #tpu.memory_space<vmem>>
      %dma_wait3A_235 = arith.constant 0 : i32
      %dma_wait3A_236 = arith.constant 0 : i32
      %dma_wait3A_237 = tpu.memref_slice %arg3[%dma_wait3A_235, %dma_wait3A_236] : memref<100000x128xf32, #tpu.memory_space<hbm>> -> memref<100000x128xf32, #tpu.memory_space<hbm>>
      tpu.wait_indirect_dma semaphore(%arg7 : memref<!tpu.dma_semaphore, #tpu.memory_space<semaphore_mem>>) src(%dma_wait3A_237 : memref<100000x128xf32, #tpu.memory_space<hbm>>) dst(%arg6 : memref<128x128xf32, #tpu.memory_space<vmem>>)
      %dma_wait3A_238 = arith.constant 0 : i32
      %dma_wait3A_239 = arith.constant 0 : i32
      %dma_wait3A_240 = tpu.memref_slice %arg5[%dma_wait3A_238, %dma_wait3A_239] : memref<200x128xi32, #tpu.memory_space<vmem>> -> memref<1x128xi32, #tpu.memory_space<vmem>>
      %dma_wait3A_241 = tpu.memref_squeeze %dma_wait3A_240 : memref<1x128xi32, #tpu.memory_space<vmem>> -> memref<128xi32, #tpu.memory_space<vmem>>
      %dma_wait3A_242 = arith.constant 0 : i32
      %dma_wait3A_243 = arith.constant 0 : i32
      %dma_wait3A_244 = tpu.memref_slice %arg3[%dma_wait3A_242, %dma_wait3A_243] : memref<100000x128xf32, #tpu.memory_space<hbm>> -> memref<100000x128xf32, #tpu.memory_space<hbm>>
      tpu.wait_indirect_dma semaphore(%arg7 : memref<!tpu.dma_semaphore, #tpu.memory_space<semaphore_mem>>) src(%dma_wait3A_244 : memref<100000x128xf32, #tpu.memory_space<hbm>>) dst(%arg6 : memref<128x128xf32, #tpu.memory_space<vmem>>)
      %dma_wait3A_245 = arith.constant 0 : i32
      %dma_wait3A_246 = arith.constant 0 : i32
      %dma_wait3A_247 = tpu.memref_slice %arg5[%dma_wait3A_245, %dma_wait3A_246] : memref<200x128xi32, #tpu.memory_space<vmem>> -> memref<1x128xi32, #tpu.memory_space<vmem>>
      %dma_wait3A_248 = tpu.memref_squeeze %dma_wait3A_247 : memref<1x128xi32, #tpu.memory_space<vmem>> -> memref<128xi32, #tpu.memory_space<vmem>>
      %dma_wait3A_249 = arith.constant 0 : i32
      %dma_wait3A_250 = arith.constant 0 : i32
      %dma_wait3A_251 = tpu.memref_slice %arg3[%dma_wait3A_249, %dma_wait3A_250] : memref<100000x128xf32, #tpu.memory_space<hbm>> -> memref<100000x128xf32, #tpu.memory_space<hbm>>
      tpu.wait_indirect_dma semaphore(%arg7 : memref<!tpu.dma_semaphore, #tpu.memory_space<semaphore_mem>>) src(%dma_wait3A_251 : memref<100000x128xf32, #tpu.memory_space<hbm>>) dst(%arg6 : memref<128x128xf32, #tpu.memory_space<vmem>>)
      %dma_wait3A_252 = arith.constant 0 : i32
      %dma_wait3A_253 = arith.constant 0 : i32
      %dma_wait3A_254 = tpu.memref_slice %arg5[%dma_wait3A_252, %dma_wait3A_253] : memref<200x128xi32, #tpu.memory_space<vmem>> -> memref<1x128xi32, #tpu.memory_space<vmem>>
      %dma_wait3A_255 = tpu.memref_squeeze %dma_wait3A_254 : memref<1x128xi32, #tpu.memory_space<vmem>> -> memref<128xi32, #tpu.memory_space<vmem>>
      %dma_wait3A_256 = arith.constant 0 : i32
      %dma_wait3A_257 = arith.constant 0 : i32
      %dma_wait3A_258 = tpu.memref_slice %arg3[%dma_wait3A_256, %dma_wait3A_257] : memref<100000x128xf32, #tpu.memory_space<hbm>> -> memref<100000x128xf32, #tpu.memory_space<hbm>>
      tpu.wait_indirect_dma semaphore(%arg7 : memref<!tpu.dma_semaphore, #tpu.memory_space<semaphore_mem>>) src(%dma_wait3A_258 : memref<100000x128xf32, #tpu.memory_space<hbm>>) dst(%arg6 : memref<128x128xf32, #tpu.memory_space<vmem>>)
      %dma_wait3A_259 = arith.constant 0 : i32
      %dma_wait3A_260 = arith.constant 0 : i32
      %dma_wait3A_261 = tpu.memref_slice %arg5[%dma_wait3A_259, %dma_wait3A_260] : memref<200x128xi32, #tpu.memory_space<vmem>> -> memref<1x128xi32, #tpu.memory_space<vmem>>
      %dma_wait3A_262 = tpu.memref_squeeze %dma_wait3A_261 : memref<1x128xi32, #tpu.memory_space<vmem>> -> memref<128xi32, #tpu.memory_space<vmem>>
      %dma_wait3A_263 = arith.constant 0 : i32
      %dma_wait3A_264 = arith.constant 0 : i32
      %dma_wait3A_265 = tpu.memref_slice %arg3[%dma_wait3A_263, %dma_wait3A_264] : memref<100000x128xf32, #tpu.memory_space<hbm>> -> memref<100000x128xf32, #tpu.memory_space<hbm>>
      tpu.wait_indirect_dma semaphore(%arg7 : memref<!tpu.dma_semaphore, #tpu.memory_space<semaphore_mem>>) src(%dma_wait3A_265 : memref<100000x128xf32, #tpu.memory_space<hbm>>) dst(%arg6 : memref<128x128xf32, #tpu.memory_space<vmem>>)
    }
    %scan3A_82 = arith.constant 24 : i32
    %dma_wait3A_83 = arith.constant 0 : i32
    %dma_wait3A_84 = arith.constant 0 : i32
    %dma_wait3A_85 = tpu.memref_slice %arg5[%dma_wait3A_83, %dma_wait3A_84] : memref<200x128xi32, #tpu.memory_space<vmem>> -> memref<1x128xi32, #tpu.memory_space<vmem>>
    %dma_wait3A_86 = tpu.memref_squeeze %dma_wait3A_85 : memref<1x128xi32, #tpu.memory_space<vmem>> -> memref<128xi32, #tpu.memory_space<vmem>>
    %dma_wait3A_87 = arith.constant 0 : i32
    %dma_wait3A_88 = arith.constant 0 : i32
    %dma_wait3A_89 = tpu.memref_slice %arg3[%dma_wait3A_87, %dma_wait3A_88] : memref<100000x128xf32, #tpu.memory_space<hbm>> -> memref<100000x128xf32, #tpu.memory_space<hbm>>
    tpu.wait_indirect_dma semaphore(%arg7 : memref<!tpu.dma_semaphore, #tpu.memory_space<semaphore_mem>>) src(%dma_wait3A_89 : memref<100000x128xf32, #tpu.memory_space<hbm>>) dst(%arg6 : memref<128x128xf32, #tpu.memory_space<vmem>>)
    %dma_wait3A_90 = arith.constant 0 : i32
    %dma_wait3A_91 = arith.constant 0 : i32
    %dma_wait3A_92 = tpu.memref_slice %arg5[%dma_wait3A_90, %dma_wait3A_91] : memref<200x128xi32, #tpu.memory_space<vmem>> -> memref<1x128xi32, #tpu.memory_space<vmem>>
    %dma_wait3A_93 = tpu.memref_squeeze %dma_wait3A_92 : memref<1x128xi32, #tpu.memory_space<vmem>> -> memref<128xi32, #tpu.memory_space<vmem>>
    %dma_wait3A_94 = arith.constant 0 : i32
    %dma_wait3A_95 = arith.constant 0 : i32
    %dma_wait3A_96 = tpu.memref_slice %arg3[%dma_wait3A_94, %dma_wait3A_95] : memref<100000x128xf32, #tpu.memory_space<hbm>> -> memref<100000x128xf32, #tpu.memory_space<hbm>>
    tpu.wait_indirect_dma semaphore(%arg7 : memref<!tpu.dma_semaphore, #tpu.memory_space<semaphore_mem>>) src(%dma_wait3A_96 : memref<100000x128xf32, #tpu.memory_space<hbm>>) dst(%arg6 : memref<128x128xf32, #tpu.memory_space<vmem>>)
    %dma_wait3A_97 = arith.constant 0 : i32
    %dma_wait3A_98 = arith.constant 0 : i32
    %dma_wait3A_99 = tpu.memref_slice %arg5[%dma_wait3A_97, %dma_wait3A_98] : memref<200x128xi32, #tpu.memory_space<vmem>> -> memref<1x128xi32, #tpu.memory_space<vmem>>
    %dma_wait3A_100 = tpu.memref_squeeze %dma_wait3A_99 : memref<1x128xi32, #tpu.memory_space<vmem>> -> memref<128xi32, #tpu.memory_space<vmem>>
    %dma_wait3A_101 = arith.constant 0 : i32
    %dma_wait3A_102 = arith.constant 0 : i32
    %dma_wait3A_103 = tpu.memref_slice %arg3[%dma_wait3A_101, %dma_wait3A_102] : memref<100000x128xf32, #tpu.memory_space<hbm>> -> memref<100000x128xf32, #tpu.memory_space<hbm>>
    tpu.wait_indirect_dma semaphore(%arg7 : memref<!tpu.dma_semaphore, #tpu.memory_space<semaphore_mem>>) src(%dma_wait3A_103 : memref<100000x128xf32, #tpu.memory_space<hbm>>) dst(%arg6 : memref<128x128xf32, #tpu.memory_space<vmem>>)
    %dma_wait3A_104 = arith.constant 0 : i32
    %dma_wait3A_105 = arith.constant 0 : i32
    %dma_wait3A_106 = tpu.memref_slice %arg5[%dma_wait3A_104, %dma_wait3A_105] : memref<200x128xi32, #tpu.memory_space<vmem>> -> memref<1x128xi32, #tpu.memory_space<vmem>>
    %dma_wait3A_107 = tpu.memref_squeeze %dma_wait3A_106 : memref<1x128xi32, #tpu.memory_space<vmem>> -> memref<128xi32, #tpu.memory_space<vmem>>
    %dma_wait3A_108 = arith.constant 0 : i32
    %dma_wait3A_109 = arith.constant 0 : i32
    %dma_wait3A_110 = tpu.memref_slice %arg3[%dma_wait3A_108, %dma_wait3A_109] : memref<100000x128xf32, #tpu.memory_space<hbm>> -> memref<100000x128xf32, #tpu.memory_space<hbm>>
    tpu.wait_indirect_dma semaphore(%arg7 : memref<!tpu.dma_semaphore, #tpu.memory_space<semaphore_mem>>) src(%dma_wait3A_110 : memref<100000x128xf32, #tpu.memory_space<hbm>>) dst(%arg6 : memref<128x128xf32, #tpu.memory_space<vmem>>)
    %dma_wait3A_111 = arith.constant 0 : i32
    %dma_wait3A_112 = arith.constant 0 : i32
    %dma_wait3A_113 = tpu.memref_slice %arg5[%dma_wait3A_111, %dma_wait3A_112] : memref<200x128xi32, #tpu.memory_space<vmem>> -> memref<1x128xi32, #tpu.memory_space<vmem>>
    %dma_wait3A_114 = tpu.memref_squeeze %dma_wait3A_113 : memref<1x128xi32, #tpu.memory_space<vmem>> -> memref<128xi32, #tpu.memory_space<vmem>>
    %dma_wait3A_115 = arith.constant 0 : i32
    %dma_wait3A_116 = arith.constant 0 : i32
    %dma_wait3A_117 = tpu.memref_slice %arg3[%dma_wait3A_115, %dma_wait3A_116] : memref<100000x128xf32, #tpu.memory_space<hbm>> -> memref<100000x128xf32, #tpu.memory_space<hbm>>
    tpu.wait_indirect_dma semaphore(%arg7 : memref<!tpu.dma_semaphore, #tpu.memory_space<semaphore_mem>>) src(%dma_wait3A_117 : memref<100000x128xf32, #tpu.memory_space<hbm>>) dst(%arg6 : memref<128x128xf32, #tpu.memory_space<vmem>>)
    %dma_wait3A_118 = arith.constant 0 : i32
    %dma_wait3A_119 = arith.constant 0 : i32
    %dma_wait3A_120 = tpu.memref_slice %arg5[%dma_wait3A_118, %dma_wait3A_119] : memref<200x128xi32, #tpu.memory_space<vmem>> -> memref<1x128xi32, #tpu.memory_space<vmem>>
    %dma_wait3A_121 = tpu.memref_squeeze %dma_wait3A_120 : memref<1x128xi32, #tpu.memory_space<vmem>> -> memref<128xi32, #tpu.memory_space<vmem>>
    %dma_wait3A_122 = arith.constant 0 : i32
    %dma_wait3A_123 = arith.constant 0 : i32
    %dma_wait3A_124 = tpu.memref_slice %arg3[%dma_wait3A_122, %dma_wait3A_123] : memref<100000x128xf32, #tpu.memory_space<hbm>> -> memref<100000x128xf32, #tpu.memory_space<hbm>>
    tpu.wait_indirect_dma semaphore(%arg7 : memref<!tpu.dma_semaphore, #tpu.memory_space<semaphore_mem>>) src(%dma_wait3A_124 : memref<100000x128xf32, #tpu.memory_space<hbm>>) dst(%arg6 : memref<128x128xf32, #tpu.memory_space<vmem>>)
    %dma_wait3A_125 = arith.constant 0 : i32
    %dma_wait3A_126 = arith.constant 0 : i32
    %dma_wait3A_127 = tpu.memref_slice %arg5[%dma_wait3A_125, %dma_wait3A_126] : memref<200x128xi32, #tpu.memory_space<vmem>> -> memref<1x128xi32, #tpu.memory_space<vmem>>
    %dma_wait3A_128 = tpu.memref_squeeze %dma_wait3A_127 : memref<1x128xi32, #tpu.memory_space<vmem>> -> memref<128xi32, #tpu.memory_space<vmem>>
    %dma_wait3A_129 = arith.constant 0 : i32
    %dma_wait3A_130 = arith.constant 0 : i32
    %dma_wait3A_131 = tpu.memref_slice %arg3[%dma_wait3A_129, %dma_wait3A_130] : memref<100000x128xf32, #tpu.memory_space<hbm>> -> memref<100000x128xf32, #tpu.memory_space<hbm>>
    tpu.wait_indirect_dma semaphore(%arg7 : memref<!tpu.dma_semaphore, #tpu.memory_space<semaphore_mem>>) src(%dma_wait3A_131 : memref<100000x128xf32, #tpu.memory_space<hbm>>) dst(%arg6 : memref<128x128xf32, #tpu.memory_space<vmem>>)
    %dma_wait3A_132 = arith.constant 0 : i32
    %dma_wait3A_133 = arith.constant 0 : i32
    %dma_wait3A_134 = tpu.memref_slice %arg5[%dma_wait3A_132, %dma_wait3A_133] : memref<200x128xi32, #tpu.memory_space<vmem>> -> memref<1x128xi32, #tpu.memory_space<vmem>>
    %dma_wait3A_135 = tpu.memref_squeeze %dma_wait3A_134 : memref<1x128xi32, #tpu.memory_space<vmem>> -> memref<128xi32, #tpu.memory_space<vmem>>
    %dma_wait3A_136 = arith.constant 0 : i32
    %dma_wait3A_137 = arith.constant 0 : i32
    %dma_wait3A_138 = tpu.memref_slice %arg3[%dma_wait3A_136, %dma_wait3A_137] : memref<100000x128xf32, #tpu.memory_space<hbm>> -> memref<100000x128xf32, #tpu.memory_space<hbm>>
    tpu.wait_indirect_dma semaphore(%arg7 : memref<!tpu.dma_semaphore, #tpu.memory_space<semaphore_mem>>) src(%dma_wait3A_138 : memref<100000x128xf32, #tpu.memory_space<hbm>>) dst(%arg6 : memref<128x128xf32, #tpu.memory_space<vmem>>)
    %mul3A_139 = arith.constant 128 : i32
    %mul3A_140 = arith.muli %add3A, %mul3A_139 : i32
    "tpu.region"() ({
      %run_scoped3A = tpu.sem_alloc : memref<!tpu.dma_semaphore, #tpu.memory_space<semaphore_mem>>
      %dma_start3A_141 = arith.constant 0 : i32
      %dma_start3A_142 = tpu.memref_slice %arg4[%mul3A_140, %dma_start3A_141] : memref<4096x128xf32, #tpu.memory_space<hbm>> -> memref<128x128xf32, #tpu.memory_space<hbm>>
      %dma_start3A_143 = arith.constant 0 : i32
      %dma_start3A_144 = tpu.memref_slice %arg4[%mul3A_140, %dma_start3A_143] : memref<4096x128xf32, #tpu.memory_space<hbm>> -> memref<128x128xf32, #tpu.memory_space<hbm>>
      tpu.enqueue_dma source(%arg6 : memref<128x128xf32, #tpu.memory_space<vmem>>) target(%dma_start3A_144 : memref<128x128xf32, #tpu.memory_space<hbm>>) target_semaphore(%run_scoped3A : memref<!tpu.dma_semaphore, #tpu.memory_space<semaphore_mem>>)
      %dma_wait3A_145 = arith.constant 0 : i32
      %dma_wait3A_146 = tpu.memref_slice %arg4[%mul3A_140, %dma_wait3A_145] : memref<4096x128xf32, #tpu.memory_space<hbm>> -> memref<128x128xf32, #tpu.memory_space<hbm>>
      %dma_wait3A_147 = arith.constant 0 : i32
      %dma_wait3A_148 = tpu.memref_slice %arg4[%mul3A_140, %dma_wait3A_147] : memref<4096x128xf32, #tpu.memory_space<hbm>> -> memref<128x128xf32, #tpu.memory_space<hbm>>
      tpu.wait_dma2 semaphore(%run_scoped3A : memref<!tpu.dma_semaphore, #tpu.memory_space<semaphore_mem>>) src(%arg6 : memref<128x128xf32, #tpu.memory_space<vmem>>) dst(%dma_wait3A_148 : memref<128x128xf32, #tpu.memory_space<hbm>>)
      tpu.yield
    }) : () -> ()
    return
  }
}

</mosaic_0001>

<sc_bundles>
// kernel: kernel.3.cloned.1.call-start
scs
__scs_entry_jumppad:
0x0: {  	(pc) =	sbr.rel $0x88, $3  }
0x1: {  	(tag) =	ssettag $0x0;
	lr =	simm.s32 $0x1  }
0x2: {  	[smem:$0x3F9F] =	sst lr;
	_ =	strace $0xD0000000  }
0x3: {  	_ = 	snop  }
0x4: {  	_ = 	snop  }
0x5: {  	_ = 	snop  }
0x6: {  	_ = 	snop  }
0x7: {  	_ = 	snop  }
__scs_overlays_trampoline_lowered:
0x8: {  	[smem:$0x3FAE] =	sst s0  }
0x9: {  	[smem:$0x3FAF] =	sst s1  }
0xa: {  	[smem:$0x3FB0] =	sst s2  }
0xb: {  	[smem:$0x3FB1] =	sst s3  }
0xc: {  	[smem:$0x3FB2] =	sst s4  }
0xd: {  	[smem:$0x3FB3] =	sst s5  }
0xe: {  	[smem:$0x3FB4] =	sst s6  }
0xf: {  	[smem:$0x3FB5] =	sst s7  }
0x10: {  	[smem:$0x3FB6] =	sst s8  }
0x11: {  	[smem:$0x3FB7] =	sst s9;
	s0 =	simm.s32 @!p0 $0x0  }
0x12: {  	s1 =	sld [smem:$0x3F9D];
	s0 =	simm.s32 @p0 $0x1  }
0x13: {  	[smem:$0x3FB8] =	sst s0;
	s0 =	simm.s32 @!p1 $0x0  }
0x14: {  	s2 =	sld [smem:$0x3F9C];
	s0 =	simm.s32 @p1 $0x1  }
0x15: {  	[smem:$0x3FB9] =	sst s0;
	s0 =	simm.s32 @!p2 $0x0  }
0x16: {  	s3 =	sld [smem:$0x3FDB];
	s0 =	simm.s32 @p2 $0x1  }
0x17: {  	s4 =	simm.s32 $0x1BF5;
	[smem:$0x3FBB] =	sst s0  }
0x18: {  	s0 =	sld [smem:$0x3F9E];
	_ =	swait.ge [sflag:s4], $0x0  }
0x19: {  	s7 =	sld [smem:$0x3F9F]  }
0x1a: {  	s8 =	sadd.s32 $0xFFFFE003, lr  }
0x1b: {  	s9 =	sadd.s32 $0xFFFFFEF7, lr;
	s5 =	simm.s32 $0xFFFFFFFF;
	p2 =	slt.u32 s8, $0xFFFFF086  }
0x1c: {  	p1 =	slt.u32 s9, $0xF7A;
	s5 =	simm.s32 @!p2 $0x0  }
0x1d: {  	s5 =	simm.s32 @p1 $0x1;
	p0 =	seq.s32 s7, s2  }
0x1e: {  	s7 =	smul.u32 @!p0 $0xF7A, s2;
	p2 =	seq.s32 @!p0 s5, $0x0  }
0x1f: {  	s9 =	smul.u32 $0xF7A, s1;
	s8 =	simm.s32 @!p0 $0x1BF5;
	p2 =	por !p2, p0  }
0x20: {  	[sflag:s8] =	ssyncset.s32 @!p0 $0xFFFFF086;
	s6 =	sadd.s32 @!p0 s3, s7;
	s7 =	simm.s32 @!p0 $0x108  }
0x21: {  	s3 =	sadd.s32 s3, s9;
	s6 =	sadd.s32 @!p0 $0x88, s6;
	s7 =	simm.s32 @p2 $0x1082  }
0x22: {  	[simem:s7], [sflag:s8] =	dma.local @!p0 [hbm:s6], $0xF7A  }
0x23: {  	s9 =	sor.u32 $0xD0000000, s2;
	s6 =	simm.s32 $0x108;
	_ =	swait.ge @!p0 [sflag:s8], $0x0  }
0x24: {  	s3 =	sadd.s32 $0x88, s3;
	s6 =	simm.s32 @!p1 $0x1082;
	[sflag:s4] =	ssyncset.s32 $0xFFFFF086  }
0x25: {  	[simem:s6], [sflag:s4] =	dma.local [hbm:s3], $0xF7A  }
0x26: {  	[smem:$0x3F9F] =	sst s1;
	(tag) =	ssettag s2;
	_ =	strace s9  }
0x27: {  	s1 =	sld [smem:$0x3FAF]  }
0x28: {  	s2 =	sld [smem:$0x3FB0]  }
0x29: {  	s4 =	sld [smem:$0x3FB2]  }
0x2a: {  	p0 =	seq.s32 s5, $0x0;
	s5 =	sld [smem:$0x3FB3]  }
0x2b: {  	s6 =	sld [smem:$0x3FB4]  }
0x2c: {  	s7 =	sld [smem:$0x3FB5]  }
0x2d: {  	s3 =	simm.s32 $0x108;
	s8 =	sld [smem:$0x3FB6]  }
0x2e: {  	s3 =	simm.s32 @!p0 $0x1082;
	s9 =	sld [smem:$0x3FB7]  }
0x2f: {  	lr =	sadd.s32 s0, s3;
	s0 =	sld [smem:$0x3FAE]  }
0x30: {  	s3 =	sld [smem:$0x3FB1]  }
0x31: {  	[smem:$0x3FBA] =	sst s10  }
0x32: {  	s10 =	sld [smem:$0x3FB8];
	_ =	sdelay $0x3  }
0x33: {  	p0 =	seq.s32 s10, $0x1;
	s10 =	sld [smem:$0x3FBA];
	_ =	sdelay $0x3  }
0x34: {  	[smem:$0x3FBA] =	sst s10  }
0x35: {  	s10 =	sld [smem:$0x3FB9];
	_ =	sdelay $0x3  }
0x36: {  	p1 =	seq.s32 s10, $0x1;
	s10 =	sld [smem:$0x3FBA];
	_ =	sdelay $0x3  }
0x37: {  	[smem:$0x3FBA] =	sst s10  }
0x38: {  	s10 =	sld [smem:$0x3FBB]  }
0x39: {  	_ = 	snop;
	(pc) =	sbr.ind lr, $3  }
0x3a: {  	_ = 	snop  }
0x3b: {  	_ = 	snop  }
0x3c: {  	p2 =	seq.s32 s10, $0x1;
	s10 =	sld [smem:$0x3FBA]  }
0x3d: {  	_ =	shalt  }
0x3e: {  	_ =	shalt  }
0x3f: {  	_ =	shalt  }
0x40: {  	_ =	shalt  }
0x41: {  	_ =	shalt  }
0x42: {  	_ =	shalt  }
0x43: {  	_ =	shalt  }
0x44: {  	_ =	shalt  }
0x45: {  	_ =	shalt  }
0x46: {  	_ =	shalt  }
0x47: {  	_ =	shalt  }
0x48: {  	_ =	shalt  }
0x49: {  	_ =	shalt  }
0x4a: {  	_ =	shalt  }
0x4b: {  	_ =	shalt  }
0x4c: {  	_ =	shalt  }
0x4d: {  	_ =	shalt  }
0x4e: {  	_ =	shalt  }
0x4f: {  	_ =	shalt  }
0x50: {  	_ =	shalt  }
0x51: {  	_ =	shalt  }
0x52: {  	_ =	shalt  }
0x53: {  	_ =	shalt  }
0x54: {  	_ =	shalt  }
0x55: {  	_ =	shalt  }
0x56: {  	_ =	shalt  }
0x57: {  	_ =	shalt  }
0x58: {  	_ =	shalt  }
0x59: {  	_ =	shalt  }
0x5a: {  	_ =	shalt  }
0x5b: {  	_ =	shalt  }
0x5c: {  	_ =	shalt  }
0x5d: {  	_ =	shalt  }
0x5e: {  	_ =	shalt  }
0x5f: {  	_ =	shalt  }
0x60: {  	_ =	shalt  }
0x61: {  	_ =	shalt  }
0x62: {  	_ =	shalt  }
0x63: {  	_ =	shalt  }
0x64: {  	_ =	shalt  }
0x65: {  	_ =	shalt  }
0x66: {  	_ =	shalt  }
0x67: {  	_ =	shalt  }
0x68: {  	_ =	shalt  }
0x69: {  	_ =	shalt  }
0x6a: {  	_ =	shalt  }
0x6b: {  	_ =	shalt  }
0x6c: {  	_ =	shalt  }
0x6d: {  	_ =	shalt  }
0x6e: {  	_ =	shalt  }
0x6f: {  	_ =	shalt  }
0x70: {  	_ =	shalt  }
0x71: {  	_ =	shalt  }
0x72: {  	_ =	shalt  }
0x73: {  	_ =	shalt  }
0x74: {  	_ =	shalt  }
0x75: {  	_ =	shalt  }
0x76: {  	_ =	shalt  }
0x77: {  	_ =	shalt  }
0x78: {  	_ =	shalt  }
0x79: {  	_ =	shalt  }
0x7a: {  	_ =	shalt  }
0x7b: {  	_ =	shalt  }
0x7c: {  	_ =	shalt  }
0x7d: {  	_ =	shalt  }
0x7e: {  	_ =	shalt  }
0x7f: {  	_ =	shalt  }
0x80: {  	_ =	shalt  }
0x81: {  	_ =	shalt  }
0x82: {  	_ =	shalt  }
0x83: {  	_ =	shalt  }
0x84: {  	_ =	shalt  }
0x85: {  	_ =	shalt  }
0x86: {  	_ =	shalt  }
0x87: {  	_ =	shalt  }
.Lfunc_end0:
.L_simem_size_0:
called_computation_lowered:
.L_overlay_start_0:
0x88: {  	s2 =	sld [smem:$0x3FD9]  }
0x89: {  	s3 =	sld [smem:$0x3FFE];
	_ =	sdelay $0x1  }
0x8a: {  	s1 =	srdreg.scid  }
0x8b: {  	s0 =	sand.u32 $0x1, s1  }
0x8c: {  	s17 =	sshll.u32 s0, $0xA;
	s2 =	sadd.s32 s3, s2  }
0x8d: {  	s2 =	sadd.s32 s2, s17  }
0x8e: {  	[smem:$0x3FC6] =	sst s2  }
0x8f: {  	_ = 	snop  }
0x90: {  	s2 =	sld [smem:$0x3FC8]  }
0x91: {  	s18 =	sld [smem:$0x3FD0];
	(tm) =	ssettm $0x1  }
0x92: {  	s4 =	sld [smem:$0x3FFB];
	_ =	sdelay $0x3  }
0x93: {  	_ =	strace s4  }
0x94: {  	s4 =	sld [smem:$0x3FFC];
	_ =	sdelay $0x3  }
0x95: {  	_ =	strace s4  }
0x96: {  	s4 =	sld [smem:$0x3FFD];
	_ =	sdelay $0x3  }
0x97: {  	_ =	strace s4  }
0x98: {  	_ =	strace $0x8FFFFFFF  }
0x99: {  	s19 =	sld [smem:$0x3FDB];
	_ =	sdelay $0x1  }
0x9a: {  	s5 =	simm.s32 $_scs_section_size  }
0x9b: {  	s6 =	simm.s32 $_size__tile_overlayer_lowered;
	s7 =	simm.s32 $_tile_overlayer_lowered  }
0x9c: {  	s22 =	simm.s32 $0x1BFF;
	s21 =	sshll.u32 s7, $0x1;
	s4 =	sadd.s32 s5, s19  }
0x9d: {  	s8 =	simm.s32 $0x0;
	s20 =	sshll.u32 s6, $0x1;
	s6 =	sadd.s32 s21, s4  }
0x9e: {  	[timem:s8], [sflag:s22] =	dma.local [hbm:s6], s20  }
0x9f: {  	_ =	swait.ge [sflag:s22], s20  }
0xa0: {  	s5 =	ssub.s32 $0x0, s20;
	[sflag:s22] =	ssyncset.done $0x0  }
0xa1: {  	[sflag:s22] =	ssyncadd.s32 s5;
	_ =	sdelay $0x1  }
0xa2: {  	s23 =	simm.s32 $0x1B8B  }
0xa3: {  	_ =	swait.ge [sflag:s23], $0x1  }
0xa4: {  	[sflag:s23] =	ssyncset.done $0x0  }
0xa5: {  	s25 =	simm.s32 $0x1B8E;
	s24 =	sld [smem:$0x3FFE];
	[sflag:s23] =	ssyncadd.s32 $0xFFFFFFFF  }
0xa6: {  	s26 =	simm.s32 $execute0_lowered;
	[smem:$0x3FD2] =	sst s25  }
0xa7: {  	s6 =	sshll.u32 s26, $0x1;
	_ =	strace $0x80000046;
	[dreg:$0x1] =	wrdreg $0xFFFFFFFF  }
0xa8: {  	s28 =	simm.s32 $_size_execute0_lowered;
	s4 =	sadd.s32 s4, s6;
	[dreg:$0x0] =	wrdreg $0x0  }
0xa9: {  	s6 =	sshll.u32 s28, $0x1;
	[dreg:$0x2] =	wrdreg s4  }
0xaa: {  	[dreg:$0x3] =	wrdreg s6  }
0xab: {  	[dreg:$0x4] =	wrdreg $0xC0  }
0xac: {  	_ =	task [dreg:s8], $0x5FFFF  }
0xad: {  	[dreg:$0x1] =	wrdreg $0xFFFFFFFF  }
0xae: {  	[dreg:$0x0] =	wrdreg $0x60  }
0xaf: {  	[dreg:$0x2] =	wrdreg s24  }
0xb0: {  	[dreg:$0x3] =	wrdreg s2  }
0xb1: {  	[dreg:$0x4] =	wrdreg s18  }
0xb2: {  	[dreg:$0x5] =	wrdreg $0x9  }
0xb3: {  	_ =	task.clear_ibuf [dreg:s8], $0x6FFFF;
	_ =	strace $0x90000046  }
0xb4: {  	s29 =	simm.s32 $0x9;
	_ =	strace $0x80000048  }
0xb5: {  	_ =	swait.ge [sflag:s29], $0x1  }
0xb6: {  	[sflag:s29] =	ssyncadd.s32 $0xFFFFFFFF  }
0xb7: {  	_ =	strace $0x90000048  }
0xb8: {  	_ =	sfence  }
0xb9: {  	s30 =	sld [smem:$0x0];
	_ =	sdelay $0x2  }
0xba: {  	s31 =	sshll.u32 s1, $0xD;
	s1 =	sshrl.u32 s1, $0x2  }
0xbb: {  	s3 =	sand.u32 $0x4000, s31;
	s1 =	sadd.s32 s1, s30  }
0xbc: {  	s0 =	sor.u32 s3, s0;
	s1 =	sshll.u32 s1, $0x11  }
0xbd: {  	s0 =	sor.u32 s1, s0  }
0xbe: {  	s0 =	sadd.s32 $0x8F2B, s0  }
0xbf: {  	[sflag:s0] =	ssyncadd.remote.s32 $0x1  }
0xc0: {  	_ =	sfence.sel $0xFFFF  }
0xc1: {  	[dreg:$0x0] =	wrdreg $0xFFFFFFFF;
	(pc) =	sbr.abs _section_cstart, $3  }
0xc2: {  	[dreg:$0x1] =	wrdreg $0xFFFFFFFF  }
0xc3: {  	_ =	task.clear_ibuf [dreg:s8], $0x2FFFF;
	_ =	strace $0x9FFFFFFF  }
0xc4: {  	(tm) =	ssettm $0x7FFFFFFF  }
0xc5: {  	_ =	shalt  }
tec
execute0_lowered:
.L_overlay_start_1:
0x0: {  	(tag) =	ssettag $0x1  }
0x1: {  	s4 =	rddreg [dreg:$0x0]  }
0x2: {  	s2 =	rddreg [dreg:$0x1];
	s1 =	srdreg.scid  }
0x3: {  	s0 =	stileid.u32;
	s5 =	rddreg [dreg:$0x2];
	s3 =	simm.s32 $0x0  }
0x4: {  	s10 =	simm.s32 $0x100;
	s11 =	simm.s32 $0x180;
	s12 =	simm.s32 $0x200  }
0x5: {  	s13 =	simm.s32 $0x280;
	s14 =	simm.s32 $0x300;
	s15 =	simm.s32 $0x380  }
0x6: {  	s16 =	simm.s32 $0x1;
	s17 =	simm.s32 $0x3;
	s18 =	simm.s32 $0x0  }
0x7: {  	s6 =	sand.u32 $0x1, s1;
	s7 =	sshll.u32 s0, $0x1;
	s1 =	rddreg [dreg:$0x3]  }
0x8: {  	[smem:$0x7FF] =	sst s3;
	s7 =	sor.u32 s6, s7;
	s6 =	ssub.s32 $0x2, s6  }
0x9: {  	s8 =	smul.u32 $0xC80, s7;
	s9 =	sshrl.u32 s6, $0x1;
	s7 =	sshll.u32 s7, $0xB  }
0xa: {  	_ =	strace $0x80000047;
	s6 =	ssub.s32 s6, s9;
	s5 =	sadd.s32 s5, s7  }
0xb: {  	s7 =	simm.s32 $0x2;
	s9 =	simm.s32 $0x6400;
	s4 =	sadd.s32 s8, s4  }
0xc: {  	v0 =	vimm.f32 $0.0e+00;
	s6 =	smax.u32 s6, $0x1;
	s8 =	simm.s32 $0x80;
	s4 =	sadd.s32 $0x600, s4  }
.LBB2_1:
0xd: {  	[tilespmem:s3], [sflag:$0x2] =	stream.linear.gather [hbm4b:s4+s3], $0x6400, $0x38;
	[tilespmem:$0xA400] =	vst v63  }
0xe: {  	s19 =	simm.s32 $0x0;
	s20 =	simm.s32 $0x200  }
.LBB2_2:
0xf: {  	p0 =	sne.s32 s20, $0xFE00;
	[tilespmem:s19+$0x6470] =	vst v0  }
0x10: {  	[tilespmem:s19+$0x6400] =	vst v0  }
0x11: {  	[tilespmem:s19+$0x6410] =	vst v0  }
.Ltmp0:
0x12: {  	[tilespmem:s19+$0x6420] =	vst v0;
	(pc) =	sbr.rel @p0 .LBB2_2-.Ltmp0, $4  }
0x13: {  	[tilespmem:s19+$0x6430] =	vst v0  }
0x14: {  	[tilespmem:s19+$0x6440] =	vst v0  }
0x15: {  	[tilespmem:s19+$0x6450] =	vst v0  }
0x16: {  	[tilespmem:s19+$0x6460] =	vst v0;
	s19 =	sshra.s32 s20, $0x2;
	s20 =	sadd.s32 $0x200, s20  }
0x17: {  	[tilespmem:s19+$0x6470] =	vst v0  }
0x18: {  	[tilespmem:s19+$0x6400] =	vst v0  }
0x19: {  	[tilespmem:s19+$0x6410] =	vst v0  }
0x1a: {  	[tilespmem:s19+$0x6420] =	vst v0  }
0x1b: {  	[tilespmem:s19+$0x6430] =	vst v0  }
0x1c: {  	[tilespmem:s19+$0x6440] =	vst v0  }
0x1d: {  	[tilespmem:s19+$0x6450] =	vst v0  }
0x1e: {  	[tilespmem:s19+$0x6460] =	vst v0  }
0x1f: {  	_ =	swait.ge [sflag:s7], $0x6400  }
0x20: {  	[sflag:s7] =	ssyncset.done $0x0  }
0x21: {  	s22 =	simm.s32 $0x0;
	[sflag:s7] =	ssyncadd.s32 $0xFFFF9C00  }
0x22: {  	[tilespmem:s9], [sflag:$0x1] =	stream.indirect.gather.add.f32 [hbm:s2], $0x80, s22, s8, $0xb8;
	[tilespmem:$0xA400] =	vst v63  }
0x23: {  	_ = 	snop  }
0x24: {  	[tilespmem:s9], [sflag:$0x1] =	stream.indirect.gather.add.f32 [hbm:s2], $0x80, s8, s8, $0xb8;
	[tilespmem:$0xA400] =	vst v63  }
0x25: {  	_ = 	snop  }
0x26: {  	[tilespmem:s9], [sflag:$0x1] =	stream.indirect.gather.add.f32 [hbm:s2], $0x80, s10, s8, $0xb8;
	[tilespmem:$0xA400] =	vst v63  }
0x27: {  	_ = 	snop  }
0x28: {  	[tilespmem:s9], [sflag:$0x1] =	stream.indirect.gather.add.f32 [hbm:s2], $0x80, s11, s8, $0xb8;
	[tilespmem:$0xA400] =	vst v63  }
0x29: {  	_ = 	snop  }
0x2a: {  	[tilespmem:s9], [sflag:$0x1] =	stream.indirect.gather.add.f32 [hbm:s2], $0x80, s12, s8, $0xb8;
	[tilespmem:$0xA400] =	vst v63  }
0x2b: {  	_ = 	snop  }
0x2c: {  	[tilespmem:s9], [sflag:$0x1] =	stream.indirect.gather.add.f32 [hbm:s2], $0x80, s13, s8, $0xb8;
	[tilespmem:$0xA400] =	vst v63  }
0x2d: {  	_ = 	snop  }
0x2e: {  	[tilespmem:s9], [sflag:$0x1] =	stream.indirect.gather.add.f32 [hbm:s2], $0x80, s14, s8, $0xb8;
	[tilespmem:$0xA400] =	vst v63  }
0x2f: {  	_ = 	snop  }
0x30: {  	[tilespmem:s9], [sflag:$0x1] =	stream.indirect.gather.add.f32 [hbm:s2], $0x80, s15, s8, $0xb8;
	[tilespmem:$0xA400] =	vst v63  }
0x31: {  	s23 =	simm.s32 $0x400  }
0x32: {  	[tilespmem:s9], [sflag:$0x1] =	stream.indirect.gather.add.f32 [hbm:s2], $0x80, s23, s8, $0xb8;
	[tilespmem:$0xA400] =	vst v63  }
0x33: {  	s24 =	simm.s32 $0x480  }
0x34: {  	[tilespmem:s9], [sflag:$0x1] =	stream.indirect.gather.add.f32 [hbm:s2], $0x80, s24, s8, $0xb8;
	[tilespmem:$0xA400] =	vst v63  }
0x35: {  	s25 =	simm.s32 $0x500  }
0x36: {  	[tilespmem:s9], [sflag:$0x1] =	stream.indirect.gather.add.f32 [hbm:s2], $0x80, s25, s8, $0xb8;
	[tilespmem:$0xA400] =	vst v63  }
0x37: {  	s26 =	simm.s32 $0x580  }
0x38: {  	[tilespmem:s9], [sflag:$0x1] =	stream.indirect.gather.add.f32 [hbm:s2], $0x80, s26, s8, $0xb8;
	[tilespmem:$0xA400] =	vst v63  }
0x39: {  	s28 =	simm.s32 $0x600  }
0x3a: {  	[tilespmem:s9], [sflag:$0x1] =	stream.indirect.gather.add.f32 [hbm:s2], $0x80, s28, s8, $0xb8;
	[tilespmem:$0xA400] =	vst v63  }
0x3b: {  	s29 =	simm.s32 $0x680  }
0x3c: {  	[tilespmem:s9], [sflag:$0x1] =	stream.indirect.gather.add.f32 [hbm:s2], $0x80, s29, s8, $0xb8;
	[tilespmem:$0xA400] =	vst v63  }
0x3d: {  	s30 =	simm.s32 $0x700  }
0x3e: {  	[tilespmem:s9], [sflag:$0x1] =	stream.indirect.gather.add.f32 [hbm:s2], $0x80, s30, s8, $0xb8;
	[tilespmem:$0xA400] =	vst v63  }
0x3f: {  	s31 =	simm.s32 $0x780  }
0x40: {  	[tilespmem:s9], [sflag:$0x1] =	stream.indirect.gather.add.f32 [hbm:s2], $0x80, s31, s8, $0xb8;
	[tilespmem:$0xA400] =	vst v63  }
0x41: {  	_ =	swait.ge [sflag:s16], $0x4000  }
0x42: {  	[sflag:s16] =	ssyncset.done $0x0  }
0x43: {  	[sflag:s16] =	ssyncadd.s32 $0xFFFFC000  }
0x44: {  	_ =	swait.ge [sflag:s16], $0x4000  }
0x45: {  	[sflag:s16] =	ssyncset.done $0x0  }
0x46: {  	[sflag:s16] =	ssyncadd.s32 $0xFFFFC000  }
0x47: {  	_ =	swait.ge [sflag:s16], $0x4000  }
0x48: {  	[sflag:s16] =	ssyncset.done $0x0  }
0x49: {  	[sflag:s16] =	ssyncadd.s32 $0xFFFFC000  }
0x4a: {  	_ =	swait.ge [sflag:s16], $0x4000  }
0x4b: {  	[sflag:s16] =	ssyncset.done $0x0  }
0x4c: {  	[sflag:s16] =	ssyncadd.s32 $0xFFFFC000  }
0x4d: {  	_ =	swait.ge [sflag:s16], $0x4000  }
0x4e: {  	[sflag:s16] =	ssyncset.done $0x0  }
0x4f: {  	[sflag:s16] =	ssyncadd.s32 $0xFFFFC000  }
0x50: {  	_ =	swait.ge [sflag:s16], $0x4000  }
0x51: {  	[sflag:s16] =	ssyncset.done $0x0  }
0x52: {  	[sflag:s16] =	ssyncadd.s32 $0xFFFFC000  }
0x53: {  	_ =	swait.ge [sflag:s16], $0x4000  }
0x54: {  	[sflag:s16] =	ssyncset.done $0x0  }
0x55: {  	[sflag:s16] =	ssyncadd.s32 $0xFFFFC000  }
0x56: {  	_ =	swait.ge [sflag:s16], $0x4000  }
0x57: {  	s21 =	simm.s32 $0x400;
	s22 =	simm.s32 $0x2000;
	[sflag:s16] =	ssyncset.done $0x0  }
.LBB2_4:
0x58: {  	s23 =	sadd.s32 $0x400, s21  }
0x59: {  	[sflag:s16] =	ssyncadd.s32 $0xFFFFC000;
	s20 =	smov.u32 s22;
	s19 =	sadd.s32 $0x1000, s22  }
0x5a: {  	[tilespmem:s9], [sflag:$0x1] =	stream.indirect.gather.add.f32 [hbm:s2], $0x80, s23, s8, $0xb8;
	[tilespmem:$0xA400] =	vst v63  }
0x5b: {  	p0 =	sne.s32 s22, $0x17000;
	s22 =	sadd.s32 $0x480, s21  }
0x5c: {  	[tilespmem:s9], [sflag:$0x1] =	stream.indirect.gather.add.f32 [hbm:s2], $0x80, s22, s8, $0xb8;
	[tilespmem:$0xA400] =	vst v63  }
0x5d: {  	s22 =	sadd.s32 $0x500, s21  }
0x5e: {  	[tilespmem:s9], [sflag:$0x1] =	stream.indirect.gather.add.f32 [hbm:s2], $0x80, s22, s8, $0xb8;
	[tilespmem:$0xA400] =	vst v63  }
0x5f: {  	s22 =	sadd.s32 $0x580, s21  }
0x60: {  	[tilespmem:s9], [sflag:$0x1] =	stream.indirect.gather.add.f32 [hbm:s2], $0x80, s22, s8, $0xb8;
	[tilespmem:$0xA400] =	vst v63  }
0x61: {  	s22 =	sadd.s32 $0x600, s21  }
0x62: {  	[tilespmem:s9], [sflag:$0x1] =	stream.indirect.gather.add.f32 [hbm:s2], $0x80, s22, s8, $0xb8;
	[tilespmem:$0xA400] =	vst v63  }
0x63: {  	s22 =	sadd.s32 $0x680, s21  }
0x64: {  	[tilespmem:s9], [sflag:$0x1] =	stream.indirect.gather.add.f32 [hbm:s2], $0x80, s22, s8, $0xb8;
	[tilespmem:$0xA400] =	vst v63  }
0x65: {  	s22 =	sadd.s32 $0x700, s21  }
0x66: {  	[tilespmem:s9], [sflag:$0x1] =	stream.indirect.gather.add.f32 [hbm:s2], $0x80, s22, s8, $0xb8;
	[tilespmem:$0xA400] =	vst v63  }
0x67: {  	s21 =	sadd.s32 $0x780, s21  }
0x68: {  	[tilespmem:s9], [sflag:$0x1] =	stream.indirect.gather.add.f32 [hbm:s2], $0x80, s21, s8, $0xb8;
	[tilespmem:$0xA400] =	vst v63  }
0x69: {  	_ =	swait.ge [sflag:s16], $0x4000  }
0x6a: {  	[sflag:s16] =	ssyncset.done $0x0  }
0x6b: {  	[sflag:s16] =	ssyncadd.s32 $0xFFFFC000  }
0x6c: {  	_ =	swait.ge [sflag:s16], $0x4000  }
0x6d: {  	[sflag:s16] =	ssyncset.done $0x0  }
0x6e: {  	[sflag:s16] =	ssyncadd.s32 $0xFFFFC000  }
0x6f: {  	_ =	swait.ge [sflag:s16], $0x4000  }
0x70: {  	[sflag:s16] =	ssyncset.done $0x0  }
0x71: {  	[sflag:s16] =	ssyncadd.s32 $0xFFFFC000  }
0x72: {  	_ =	swait.ge [sflag:s16], $0x4000  }
0x73: {  	[sflag:s16] =	ssyncset.done $0x0  }
0x74: {  	[sflag:s16] =	ssyncadd.s32 $0xFFFFC000  }
0x75: {  	_ =	swait.ge [sflag:s16], $0x4000  }
0x76: {  	[sflag:s16] =	ssyncset.done $0x0  }
0x77: {  	[sflag:s16] =	ssyncadd.s32 $0xFFFFC000  }
0x78: {  	_ =	swait.ge [sflag:s16], $0x4000  }
0x79: {  	[sflag:s16] =	ssyncset.done $0x0  }
0x7a: {  	[sflag:s16] =	ssyncadd.s32 $0xFFFFC000  }
.Ltmp1:
0x7b: {  	_ =	swait.ge [sflag:s16], $0x4000;
	(pc) =	sbr.rel @p0 .LBB2_4-.Ltmp1, $4  }
0x7c: {  	[sflag:s16] =	ssyncset.done $0x0  }
0x7d: {  	[sflag:s16] =	ssyncadd.s32 $0xFFFFC000  }
0x7e: {  	_ =	swait.ge [sflag:s16], $0x4000  }
0x7f: {  	s22 =	smov.u32 s19;
	s21 =	sshra.s32 s20, $0x2;
	[sflag:s16] =	ssyncset.done $0x0  }
0x80: {  	s19 =	sadd.s32 $0x400, s21;
	[sflag:s16] =	ssyncadd.s32 $0xFFFFC000  }
0x81: {  	[tilespmem:s9], [sflag:$0x1] =	stream.indirect.gather.add.f32 [hbm:s2], $0x80, s19, s8, $0xb8;
	[tilespmem:$0xA400] =	vst v63  }
0x82: {  	s24 =	sadd.s32 $0x480, s21  }
0x83: {  	[tilespmem:s9], [sflag:$0x1] =	stream.indirect.gather.add.f32 [hbm:s2], $0x80, s24, s8, $0xb8;
	[tilespmem:$0xA400] =	vst v63  }
0x84: {  	s25 =	sadd.s32 $0x500, s21  }
0x85: {  	[tilespmem:s9], [sflag:$0x1] =	stream.indirect.gather.add.f32 [hbm:s2], $0x80, s25, s8, $0xb8;
	[tilespmem:$0xA400] =	vst v63  }
0x86: {  	s26 =	sadd.s32 $0x580, s21  }
0x87: {  	[tilespmem:s9], [sflag:$0x1] =	stream.indirect.gather.add.f32 [hbm:s2], $0x80, s26, s8, $0xb8;
	[tilespmem:$0xA400] =	vst v63  }
0x88: {  	s28 =	sadd.s32 $0x600, s21  }
0x89: {  	[tilespmem:s9], [sflag:$0x1] =	stream.indirect.gather.add.f32 [hbm:s2], $0x80, s28, s8, $0xb8;
	[tilespmem:$0xA400] =	vst v63  }
0x8a: {  	s29 =	sadd.s32 $0x680, s21  }
0x8b: {  	[tilespmem:s9], [sflag:$0x1] =	stream.indirect.gather.add.f32 [hbm:s2], $0x80, s29, s8, $0xb8;
	[tilespmem:$0xA400] =	vst v63  }
0x8c: {  	s30 =	sadd.s32 $0x700, s21  }
0x8d: {  	[tilespmem:s9], [sflag:$0x1] =	stream.indirect.gather.add.f32 [hbm:s2], $0x80, s30, s8, $0xb8;
	[tilespmem:$0xA400] =	vst v63  }
0x8e: {  	s31 =	sadd.s32 $0x780, s21  }
0x8f: {  	[tilespmem:s9], [sflag:$0x1] =	stream.indirect.gather.add.f32 [hbm:s2], $0x80, s31, s8, $0xb8;
	[tilespmem:$0xA400] =	vst v63  }
0x90: {  	_ =	swait.ge [sflag:s16], $0x4000  }
0x91: {  	[sflag:s16] =	ssyncset.done $0x0  }
0x92: {  	[sflag:s16] =	ssyncadd.s32 $0xFFFFC000  }
0x93: {  	_ =	swait.ge [sflag:s16], $0x4000  }
0x94: {  	[sflag:s16] =	ssyncset.done $0x0  }
0x95: {  	[sflag:s16] =	ssyncadd.s32 $0xFFFFC000  }
0x96: {  	_ =	swait.ge [sflag:s16], $0x4000  }
0x97: {  	[sflag:s16] =	ssyncset.done $0x0  }
0x98: {  	[sflag:s16] =	ssyncadd.s32 $0xFFFFC000  }
0x99: {  	_ =	swait.ge [sflag:s16], $0x4000  }
0x9a: {  	[sflag:s16] =	ssyncset.done $0x0  }
0x9b: {  	[sflag:s16] =	ssyncadd.s32 $0xFFFFC000  }
0x9c: {  	_ =	swait.ge [sflag:s16], $0x4000  }
0x9d: {  	[sflag:s16] =	ssyncset.done $0x0  }
0x9e: {  	[sflag:s16] =	ssyncadd.s32 $0xFFFFC000  }
0x9f: {  	_ =	swait.ge [sflag:s16], $0x4000  }
0xa0: {  	[sflag:s16] =	ssyncset.done $0x0  }
0xa1: {  	[sflag:s16] =	ssyncadd.s32 $0xFFFFC000  }
0xa2: {  	_ =	swait.ge [sflag:s16], $0x4000  }
0xa3: {  	[sflag:s16] =	ssyncset.done $0x0  }
0xa4: {  	[sflag:s16] =	ssyncadd.s32 $0xFFFFC000  }
0xa5: {  	_ =	swait.ge [sflag:s16], $0x4000  }
0xa6: {  	[sflag:s16] =	ssyncset.done $0x0  }
0xa7: {  	[sflag:s16] =	ssyncadd.s32 $0xFFFFC000  }
0xa8: {  	_ =	swait.ge [sflag:s16], $0x4000  }
0xa9: {  	[sflag:s16] =	ssyncset.done $0x0  }
0xaa: {  	[sflag:s16] =	ssyncadd.s32 $0xFFFFC000  }
0xab: {  	_ =	swait.ge [sflag:s16], $0x4000  }
0xac: {  	[sflag:s16] =	ssyncset.done $0x0  }
0xad: {  	[sflag:s16] =	ssyncadd.s32 $0xFFFFC000  }
0xae: {  	_ =	swait.ge [sflag:s16], $0x4000  }
0xaf: {  	[sflag:s16] =	ssyncset.done $0x0  }
0xb0: {  	[sflag:s16] =	ssyncadd.s32 $0xFFFFC000  }
0xb1: {  	_ =	swait.ge [sflag:s16], $0x4000  }
0xb2: {  	[sflag:s16] =	ssyncset.done $0x0  }
0xb3: {  	[sflag:s16] =	ssyncadd.s32 $0xFFFFC000  }
0xb4: {  	_ =	swait.ge [sflag:s16], $0x4000  }
0xb5: {  	[sflag:s16] =	ssyncset.done $0x0  }
0xb6: {  	[sflag:s16] =	ssyncadd.s32 $0xFFFFC000  }
0xb7: {  	_ =	swait.ge [sflag:s16], $0x4000  }
0xb8: {  	[sflag:s16] =	ssyncset.done $0x0  }
0xb9: {  	[sflag:s16] =	ssyncadd.s32 $0xFFFFC000  }
0xba: {  	_ =	swait.ge [sflag:s16], $0x4000  }
0xbb: {  	[sflag:s16] =	ssyncset.done $0x0  }
0xbc: {  	[sflag:s16] =	ssyncadd.s32 $0xFFFFC000  }
0xbd: {  	s18 =	sadd.s32 $0x1, s18;
	_ =	swait.ge [sflag:s16], $0x4000  }
0xbe: {  	p0 =	sne.s32 s18, s6;
	[sflag:s16] =	ssyncset.done $0x0  }
.Ltmp2:
0xbf: {  	[sflag:s16] =	ssyncadd.s32 $0xFFFFC000;
	(pc) =	sbr.rel @p0 .LBB2_1-.Ltmp2, $4  }
0xc0: {  	[hbm4b:s5+s3] =	stream.linear.scatter [tilespmem:s9], [sflag:$0x3], $0x4000, $0x38;
	[tilespmem:$0xA400] =	vst v63  }
0xc1: {  	_ =	swait.ge [sflag:s17], $0x4000  }
0xc2: {  	[sflag:s17] =	ssyncset.done $0x0  }
0xc3: {  	[sflag:s17] =	ssyncadd.s32 $0xFFFFC000  }
0xc4: {  	_ =	sfence.sel $0x180000  }
0xc5: {  	[bflag:$0x0] =	sbarrier.arrive $0xFFFF  }
0xc6: {  	p0 =	sne.s32 s0, $0x0;
	_ =	strace $0x90000047  }
0xc7: {  	s0 =	sadd.s32 @!p0 $0x100000, s1;
	[bflag:$0x2] =	sbarrier.arrive $0xFFFF  }
0xc8: {  	[sflag:s0] =	ssyncadd.tile.s32 @!p0 $0x1;
	_ =	shalt  }
.Lfunc_end2:
_tile_overlayer_lowered:
.L_overlay_start_2:
0xc9: {  	(tag) =	ssettag $0x2  }
0xca: {  	s0 =	rddreg [dreg:$0x0];
	s2 =	stileid.u32  }
0xcb: {  	s1 =	rddreg [dreg:$0x1];
	p0 =	sne.s32 s2, $0x0  }
0xcc: {  	s3 =	rddreg [dreg:$0x2];
	[bflag:$0x3] =	sbarrier.arrive $0xFFFF;
	s2 =	simm.s32 @!p0 $0x1C03  }
0xcd: {  	[timem:s3], [sflag:s2] =	dma.local @!p0 [hbm:s0], s1  }
0xce: {  	s0 =	simm.s32 @!p0 $0x3  }
0xcf: {  	_ =	swait.ge @!p0 [sflag:s0], s1  }
0xd0: {  	s1 =	ssub.s32 @!p0 $0x0, s1;
	[sflag:s0] =	ssyncset.done @!p0 $0x0  }
0xd1: {  	[sflag:s0] =	ssyncadd.s32 @!p0 s1  }
0xd2: {  	[bflag:$0x3] =	sbarrier.arrive $0xFFFF  }
0xd3: {  	_ =	shalt  }

</sc_bundles>
